<compile_context>
chip_gen: v7x
topology: tpu7x:2x2x1
jax: 0.10.2.dev20260603
libtpu: 0.0.44.dev20260713+nightly
codegen_flags: <defaults>
</compile_context>

<pallas_src>
import functools

import jax
import jax.numpy as jnp
from jax import lax
from jax.experimental import pallas as pl
from jax.experimental.pallas import tpu as pltpu
from jax.experimental.pallas import tpu_sc as plsc

_N = 10000
_E = 160000
_DIN = 256
_DH = 512
_DOUT = 256
_EPS_BN = 1e-5

_NC = 2
_NS = 16
_DC = 128
_BATCH = 128
_EPB = 10240
_NBATCH = _EPB // _BATCH
_NPAD = 240
_NA = _N + _NPAD
_ZR = 16
_WR = _NA // _NS

_R = 1024



def _sc_mesh():
    return plsc.VectorSubcoreMesh(core_axis_name="c", subcore_axis_name="s")


@functools.partial(jax.jit, static_argnames=("n_chunks",))
def _sc_segsum(table, sidx, didx, n_chunks):
    cpc = n_chunks // _NC

    @functools.partial(
        pl.kernel,
        mesh=_sc_mesh(),
        out_type=jax.ShapeDtypeStruct((n_chunks, _NA, _DC), jnp.float32),
        scratch_types=[
            pltpu.VMEM((_NBATCH // 2, _BATCH), jnp.int32),
            pltpu.VMEM((_NBATCH // 2, _BATCH), jnp.int32),
            pltpu.VMEM((_BATCH, _DC), jnp.float32),
            pltpu.VMEM((_BATCH, _DC), jnp.float32),
            pltpu.VMEM((_ZR, _DC), jnp.float32),
            pltpu.VMEM_SHARED((_NA, _DC), jnp.float32),
            pltpu.SemaphoreType.DMA,
            pltpu.SemaphoreType.DMA,
        ],
    )
    def k(table_h, sidx_h, didx_h, zeros_h, out_h, sv, dv, r0, r1,
          zbuf, acc, gsem, ssem):
        core = lax.axis_index("c")
        sub = lax.axis_index("s")
        bufs = (r0, r1)
        nb2 = _NBATCH // 2
        pltpu.sync_copy(zeros_h, zbuf)
        for j in range(cpc):
            c = core * cpc + j
            @pl.loop(0, 640 // _ZR)
            def _(z):
                pltpu.sync_copy(
                    zbuf, acc.at[pl.ds(sub * 640 + z * _ZR, _ZR)])
            plsc.subcore_barrier()

            for half in range(2):
                pltpu.sync_copy(sidx_h.at[c, sub, pl.ds(half * nb2, nb2)], sv)
                pltpu.sync_copy(didx_h.at[sub, pl.ds(half * nb2, nb2)], dv)
                pltpu.async_copy(table_h.at[sv.at[0]], r0, gsem)

                @pl.loop(0, nb2, step=2)
                def _(b):
                    for j in range(2):
                        bb = b + j
                        cur = bufs[j]
                        nxt = bufs[1 - j]
                        pltpu.make_async_copy(
                            table_h.at[sv.at[bb]], cur, gsem).wait()

                        @pl.when(bb + 1 < nb2)
                        def _():
                            pltpu.async_copy(
                                table_h.at[sv.at[bb + 1]], nxt, gsem)

                        pltpu.async_copy(cur, acc.at[dv.at[bb]], ssem,
                                         add=True)
                        pltpu.make_async_copy(
                            cur, acc.at[dv.at[bb]], ssem).wait()

            plsc.subcore_barrier()
            pltpu.sync_copy(acc.at[pl.ds(sub * _WR, _WR)],
                            out_h.at[c, pl.ds(sub * _WR, _WR)])
            plsc.subcore_barrier()

    return k(table, sidx, didx, jnp.zeros((_ZR, _DC), jnp.float32))


@jax.jit
def _sc_degree(didx):
    half = _NBATCH // 2

    @functools.partial(
        pl.kernel,
        mesh=_sc_mesh(),
        out_type=jax.ShapeDtypeStruct((_NC, _NA, _DC), jnp.float32),
        scratch_types=[
            pltpu.VMEM((half, _BATCH), jnp.int32),
            pltpu.VMEM((_BATCH, _DC), jnp.float32),
            pltpu.VMEM((_ZR, _DC), jnp.float32),
            pltpu.VMEM_SHARED((_NA, _DC), jnp.float32),
            pltpu.SemaphoreType.DMA,
        ],
    )
    def k(didx_h, ones_h, zeros_h, out_h, dv, ones, zbuf, acc, sem):
        core = lax.axis_index("c")
        sub = lax.axis_index("s")
        pltpu.sync_copy(zeros_h, zbuf)
        pltpu.sync_copy(ones_h, ones)

        @pl.loop(0, 640 // _ZR)
        def _(z):
            pltpu.sync_copy(zbuf, acc.at[pl.ds(sub * 640 + z * _ZR, _ZR)])
        pltpu.sync_copy(didx_h.at[sub, core], dv)
        plsc.subcore_barrier()

        @pl.loop(0, half)
        def _(b):
            pltpu.sync_copy(ones, acc.at[dv.at[b]], add=True)

        plsc.subcore_barrier()
        pltpu.sync_copy(acc.at[pl.ds(sub * 640, 640)],
                        out_h.at[core, pl.ds(sub * 640, 640)])

    return k(didx, jnp.ones((_BATCH, _DC), jnp.float32),
             jnp.zeros((_ZR, _DC), jnp.float32))



def _rowscale_body(x_ref, s_ref, o_ref):
    o_ref[0] = x_ref[...] * s_ref[...]


@functools.partial(jax.jit, static_argnames=("n_chunks",))
def _tc_rowscale(x, scale, n_chunks):
    return pl.pallas_call(
        _rowscale_body,
        grid=(_NA // _R, n_chunks),
        in_specs=[
            pl.BlockSpec((_R, _DC), lambda i, c: (i, c)),
            pl.BlockSpec((_R, 1), lambda i, c: (i, 0)),
        ],
        out_specs=pl.BlockSpec((1, _R, _DC), lambda i, c: (c, i, 0)),
        out_shape=jax.ShapeDtypeStruct((n_chunks, _NA, _DC), jnp.float32),
    )(x, scale)


def _rowscale_chunked_body(x_ref, s_ref, o_ref):
    o_ref[0] = x_ref[0] * s_ref[...]


@jax.jit
def _tc_rowscale_chunked(xc, scale):
    c = xc.shape[0]
    return pl.pallas_call(
        _rowscale_chunked_body,
        grid=(_NA // _R, c),
        in_specs=[
            pl.BlockSpec((1, _R, _DC), lambda i, cc: (cc, i, 0)),
            pl.BlockSpec((_R, 1), lambda i, cc: (i, 0)),
        ],
        out_specs=pl.BlockSpec((1, _R, _DC), lambda i, cc: (cc, i, 0)),
        out_shape=jax.ShapeDtypeStruct((c, _NA, _DC), jnp.float32),
    )(xc, scale)


def _conv1_body(x0_ref, a0_ref, a1_ref, dinv_ref, wa_ref, wb_ref, wc_ref,
                b_ref, gs_ref, beta_ref, x1_ref, g_ref):
    dinv = dinv_ref[...]
    z = jnp.dot(x0_ref[...], wa_ref[...],
                preferred_element_type=jnp.float32)
    for c in range(2):
        z += jnp.dot(a0_ref[c] * dinv, wb_ref[pl.ds(c * _DC, _DC), :],
                     preferred_element_type=jnp.float32)
        z += jnp.dot(a1_ref[c] * dinv, wc_ref[pl.ds(c * _DC, _DC), :],
                     preferred_element_type=jnp.float32)
    x1 = jnp.maximum(z + b_ref[...], 0.0) * gs_ref[...] + beta_ref[...]
    x1_ref[...] = x1
    for c in range(4):
        g_ref[c] = x1[:, c * _DC:(c + 1) * _DC] * dinv


@jax.jit
def _tc_conv1(x0, a0c, a1c, dinv, wa, wb, wc, b, gs, beta):
    return pl.pallas_call(
        _conv1_body,
        grid=(_NA // _R,),
        in_specs=[
            pl.BlockSpec((_R, _DIN), lambda i: (i, 0)),
            pl.BlockSpec((2, _R, _DC), lambda i: (0, i, 0)),
            pl.BlockSpec((2, _R, _DC), lambda i: (0, i, 0)),
            pl.BlockSpec((_R, 1), lambda i: (i, 0)),
            pl.BlockSpec((_DIN, _DH), lambda i: (0, 0)),
            pl.BlockSpec((_DIN, _DH), lambda i: (0, 0)),
            pl.BlockSpec((_DIN, _DH), lambda i: (0, 0)),
            pl.BlockSpec((1, _DH), lambda i: (0, 0)),
            pl.BlockSpec((1, _DH), lambda i: (0, 0)),
            pl.BlockSpec((1, _DH), lambda i: (0, 0)),
        ],
        out_specs=[
            pl.BlockSpec((_R, _DH), lambda i: (i, 0)),
            pl.BlockSpec((4, _R, _DC), lambda i: (0, i, 0)),
        ],
        out_shape=[
            jax.ShapeDtypeStruct((_NA, _DH), jnp.float32),
            jax.ShapeDtypeStruct((4, _NA, _DC), jnp.float32),
        ],
    )(x0, a0c, a1c, dinv, wa, wb, wc, b, gs, beta)


def _conv3_mlp_body(x1_ref, a0_ref, a1_ref, dinv_ref, wa_ref, wb_ref, wc_ref,
                    b_ref, wm1_ref, bm1_ref, wm2_ref, bm2_ref, o_ref):
    dinv = dinv_ref[...]
    x1 = x1_ref[...]
    z = jnp.dot(x1, wa_ref[...], preferred_element_type=jnp.float32)
    for c in range(4):
        z += jnp.dot(a0_ref[c] * dinv, wb_ref[pl.ds(c * _DC, _DC), :],
                     preferred_element_type=jnp.float32)
        z += jnp.dot(a1_ref[c] * dinv, wc_ref[pl.ds(c * _DC, _DC), :],
                     preferred_element_type=jnp.float32)
    x = jnp.maximum(z + b_ref[...], 0.0) + x1
    h = jnp.maximum(jnp.dot(x, wm1_ref[...],
                            preferred_element_type=jnp.float32)
                    + bm1_ref[...], 0.0)
    o_ref[...] = jnp.dot(h, wm2_ref[...],
                         preferred_element_type=jnp.float32) + bm2_ref[...]


@jax.jit
def _tc_conv3_mlp(x1, a0c, a1c, dinv, wa, wb, wc, b, wm1, bm1, wm2, bm2):
    return pl.pallas_call(
        _conv3_mlp_body,
        grid=(_NA // _R,),
        in_specs=[
            pl.BlockSpec((_R, _DH), lambda i: (i, 0)),
            pl.BlockSpec((4, _R, _DC), lambda i: (0, i, 0)),
            pl.BlockSpec((4, _R, _DC), lambda i: (0, i, 0)),
            pl.BlockSpec((_R, 1), lambda i: (i, 0)),
            pl.BlockSpec((_DH, _DH), lambda i: (0, 0)),
            pl.BlockSpec((_DH, _DH), lambda i: (0, 0)),
            pl.BlockSpec((_DH, _DH), lambda i: (0, 0)),
            pl.BlockSpec((1, _DH), lambda i: (0, 0)),
            pl.BlockSpec((_DH, _DH), lambda i: (0, 0)),
            pl.BlockSpec((1, _DH), lambda i: (0, 0)),
            pl.BlockSpec((_DH, _DOUT), lambda i: (0, 0)),
            pl.BlockSpec((1, _DOUT), lambda i: (0, 0)),
        ],
        out_specs=pl.BlockSpec((_R, _DOUT), lambda i: (i, 0)),
        out_shape=jax.ShapeDtypeStruct((_NA, _DOUT), jnp.float32),
    )(x1, a0c, a1c, dinv, wa, wb, wc, b, wm1, bm1, wm2, bm2)



def _prep_indices(edge_index):
    src = edge_index[0]
    dst = edge_index[1]
    pad_dst = _N + (jnp.arange(_EPB - _E // _NS, dtype=jnp.int32) % _NPAD)
    srcp = jnp.concatenate(
        [src.reshape(_NS, _E // _NS),
         jnp.zeros((_NS, _EPB - _E // _NS), jnp.int32)], axis=1)
    dstp = jnp.concatenate(
        [dst.reshape(_NS, _E // _NS),
         jnp.broadcast_to(pad_dst, (_NS, _EPB - _E // _NS))], axis=1)
    shift2 = (jnp.arange(2, dtype=jnp.int32) * _NA)[:, None, None]
    shift4 = (jnp.arange(4, dtype=jnp.int32) * _NA)[:, None, None]
    sidx2 = (srcp[None] + shift2).reshape(2, _NS, _NBATCH, _BATCH)
    sidx4 = (srcp[None] + shift4).reshape(4, _NS, _NBATCH, _BATCH)
    didx = dstp.reshape(_NS, _NBATCH, _BATCH)
    didx_deg = dstp.reshape(_NS, 2, _NBATCH // 2, _BATCH)
    return sidx2, sidx4, didx, didx_deg



def kernel(edge_index, features, W1, b1, W2, b2, W3, b3, gamma, beta,
           Wm1, bm1, Wm2, bm2):
    del W2, b2

    sidx2, sidx4, didx, didx_deg = _prep_indices(edge_index)

    degp = _sc_degree(didx_deg)
    deg = degp[0, :, 0] + degp[1, :, 0]
    dinv = lax.rsqrt(jnp.maximum(deg, 1.0))[:, None]
    dinv2 = (1.0 / jnp.maximum(deg, 1.0))[:, None]
    feats = jnp.concatenate(
        [features, jnp.zeros((_NA - _N, _DIN), jnp.float32)], axis=0)

    w1a = W1[:_DIN] - W1[2 * _DIN:]
    w1b = -W1[_DIN:2 * _DIN]
    w1c = 2.0 * W1[2 * _DIN:]
    w3a = W3[:_DH] - W3[2 * _DH:]
    w3b = -W3[_DH:2 * _DH]
    w3c = 2.0 * W3[2 * _DH:]
    gs = (gamma / jnp.sqrt(1.0 + _EPS_BN))[None, :]

    g0 = _tc_rowscale(feats, dinv, 2)
    a0 = _sc_segsum(g0.reshape(2 * _NA, _DC), sidx2, didx, 2)
    g1 = _tc_rowscale_chunked(a0, dinv2)
    a1 = _sc_segsum(g1.reshape(2 * _NA, _DC), sidx2, didx, 2)
    x1, g0p = _tc_conv1(feats, a0, a1, dinv, w1a, w1b, w1c,
                        b1[None, :], gs, beta[None, :])

    a0p = _sc_segsum(g0p.reshape(4 * _NA, _DC), sidx4, didx, 4)
    g1p = _tc_rowscale_chunked(a0p, dinv2)
    a1p = _sc_segsum(g1p.reshape(4 * _NA, _DC), sidx4, didx, 4)
    out = _tc_conv3_mlp(x1, a0p, a1p, dinv, w3a, w3b, w3c, b3[None, :],
                        Wm1, bm1[None, :], Wm2, bm2[None, :])
    return out[:_N]

# --- scband reference (transcript-rebuilt; emitter-appended) ---
"""Pipeline reference for scband-egcn-9294309229061 (READ-ONLY COPY).

The authoritative reference and input builder live on the scoring server;
editing this copy changes nothing except your own understanding.
"""

import jax, jax.numpy as jnp
import numpy as np

N = 10000
E = 160000
D_IN = 256
D_H = 512
D_OUT = 256
K = 3
EPS_BN = 1e-5
EPSILON = 1e-4


def setup_inputs(seed: int = 0):
    key = jax.random.key(seed)
    ks = jax.random.split(key, 8)
    s = 0.05
    inp = {}
    inp["edge_index"] = jax.random.randint(ks[0], (2, E), 0, N, dtype=jnp.int32)
    inp["features"] = jax.random.normal(ks[1], (N, D_IN), dtype=jnp.float32)
    inp["W1"] = jax.random.normal(ks[2], (K * D_IN, D_H), dtype=jnp.float32) * s
    inp["b1"] = jnp.zeros((D_H,), dtype=jnp.float32)
    inp["W2"] = jax.random.normal(ks[3], (K * D_H, D_H), dtype=jnp.float32) * s
    inp["b2"] = jnp.zeros((D_H,), dtype=jnp.float32)
    inp["W3"] = jax.random.normal(ks[4], (K * D_H, D_H), dtype=jnp.float32) * s
    inp["b3"] = jnp.zeros((D_H,), dtype=jnp.float32)
    inp["gamma"] = jnp.ones((D_H,), dtype=jnp.float32)
    inp["beta"] = jnp.zeros((D_H,), dtype=jnp.float32)
    inp["Wm1"] = jax.random.normal(ks[5], (D_H, D_H), dtype=jnp.float32) * s
    inp["bm1"] = jnp.zeros((D_H,), dtype=jnp.float32)
    inp["Wm2"] = jax.random.normal(ks[6], (D_H, D_OUT), dtype=jnp.float32) * s
    inp["bm2"] = jnp.zeros((D_OUT,), dtype=jnp.float32)
    return inp


def _cheb(feat, W, b, src, dst, d_invsqrt, k=K, lambda_max=2.0):
    # Faithful port of DGL ChebConv (lambda_max defaults to 2.0)
    re_norm = 2.0 / lambda_max

    def prop(f):
        # feat * D^-1/2, copy_u -> sum at dst, * D^-1/2
        h = f * d_invsqrt
        agg = jax.ops.segment_sum(h[src], dst, num_segments=f.shape[0])
        return agg * d_invsqrt

    X0 = feat
    Xs = [X0]
    h = prop(X0)
    X1 = -re_norm * h + X0 * (re_norm - 1.0)
    Xs.append(X1)
    for _ in range(2, k):
        h = prop(X1)
        Xi = -2.0 * re_norm * h + X1 * (2.0 * (re_norm - 1.0)) - X0
        Xs.append(Xi)
        X0, X1 = X1, Xi
    return jnp.concatenate(Xs, axis=1) @ W + b


def reference(edge_index, features, W1, b1, W2, b2, W3, b3, gamma, beta, Wm1, bm1, Wm2, bm2):
    src = edge_index[0]
    dst = edge_index[1]
    deg = jax.ops.segment_sum(jnp.ones((src.shape[0],), dtype=jnp.float32), dst,
                              num_segments=features.shape[0])
    d_invsqrt = jnp.power(jnp.maximum(deg, 1.0), -0.5)[:, None]

    x = jax.nn.relu(_cheb(features, W1, b1, src, dst, d_invsqrt))
    # BatchNorm1d in eval mode (running_mean=0, running_var=1)
    x = x / jnp.sqrt(1.0 + EPS_BN) * gamma + beta

    # Adaptive Chebyshev loop: NOTE in the original torch code `x` is never
    # reassigned inside this loop, so it does not affect the output; we still
    # execute it faithfully (traced early-stop check via lax.while_loop).
    prev_x = x

    def _loop_cond(carry):
        i, _, stop = carry
        return jnp.logical_and(i < K, jnp.logical_not(stop))

    def _loop_body(carry):
        i, prev_x, _ = carry
        x_new = jax.nn.relu(_cheb(x, W2, b2, src, dst, d_invsqrt))
        stop = jnp.linalg.norm(x_new - prev_x) < EPSILON
        prev_x = jnp.where(stop, prev_x, x_new)
        return (i + 1, prev_x, stop)

    _ = jax.lax.while_loop(_loop_cond, _loop_body,
                           (jnp.int32(1), prev_x, jnp.bool_(False)))

    x_res = x
    x = jax.nn.relu(_cheb(x, W3, b3, src, dst, d_invsqrt))
    x = x + x_res  # dropout is identity in eval mode
    h = jax.nn.relu(x @ Wm1 + bm1)
    return h @ Wm2 + bm2

if __name__ == "__main__":
    import jax
    _d = setup_inputs()
    print(jax.jit(kernel)(*tuple(_d.values())))

</pallas_src>

<mosaic_0001>
#map = affine_map<(d0, d1) -> (0, 0, 0, 0)>
#map1 = affine_map<(d0, d1) -> (0, 0)>
#map2 = affine_map<(d0, d1) -> (0, 0, 0)>
module attributes {stable_mosaic.version = 14 : i64} {
  func.func @k(%arg0: i32, %arg1: i32, %arg2: memref<16x2x40x128xi32, #tpu.memory_space<hbm>>, %arg3: memref<128x128xf32, #tpu.memory_space<hbm>>, %arg4: memref<16x128xf32, #tpu.memory_space<hbm>>, %arg5: memref<2x10240x128xf32, #tpu.memory_space<hbm>>, %arg6: memref<40x128xi32, #tpu.memory_space<vmem>>, %arg7: memref<128x128xf32, #tpu.memory_space<vmem>>, %arg8: memref<16x128xf32, #tpu.memory_space<vmem>>, %arg9: memref<10240x128xf32, #tpu.memory_space<vmem_shared>>, %arg10: memref<!tpu.dma_semaphore, #tpu.memory_space<semaphore_mem>>) attributes {dimension_semantics = [#tpu.dimension_semantics<core_parallel>, #tpu.dimension_semantics<subcore_parallel>], iteration_bounds = array<i64: 2, 16>, scalar_prefetch = 0 : i64, scratch_operands = 5 : i64, tpu.core_type = #tpu.core_type<sc_vector_subcore>, window_params = [{transform_indices = #map}, {transform_indices = #map1}, {transform_indices = #map1}, {transform_indices = #map2}]} {
    "tpu.region"() ({
      %run_scoped3A = tpu.sem_alloc : memref<!tpu.dma_semaphore, #tpu.memory_space<semaphore_mem>>
      tpu.enqueue_dma source(%arg4 : memref<16x128xf32, #tpu.memory_space<hbm>>) target(%arg8 : memref<16x128xf32, #tpu.memory_space<vmem>>) target_semaphore(%run_scoped3A : memref<!tpu.dma_semaphore, #tpu.memory_space<semaphore_mem>>)
      tpu.wait_dma2 semaphore(%run_scoped3A : memref<!tpu.dma_semaphore, #tpu.memory_space<semaphore_mem>>) src(%arg4 : memref<16x128xf32, #tpu.memory_space<hbm>>) dst(%arg8 : memref<16x128xf32, #tpu.memory_space<vmem>>)
      tpu.yield
    }) : () -> ()
    "tpu.region"() ({
      %run_scoped3A = tpu.sem_alloc : memref<!tpu.dma_semaphore, #tpu.memory_space<semaphore_mem>>
      tpu.enqueue_dma source(%arg3 : memref<128x128xf32, #tpu.memory_space<hbm>>) target(%arg7 : memref<128x128xf32, #tpu.memory_space<vmem>>) target_semaphore(%run_scoped3A : memref<!tpu.dma_semaphore, #tpu.memory_space<semaphore_mem>>)
      tpu.wait_dma2 semaphore(%run_scoped3A : memref<!tpu.dma_semaphore, #tpu.memory_space<semaphore_mem>>) src(%arg3 : memref<128x128xf32, #tpu.memory_space<hbm>>) dst(%arg7 : memref<128x128xf32, #tpu.memory_space<vmem>>)
      tpu.yield
    }) : () -> ()
    %scan3A = arith.constant 0 : i32
    %scan3A_0 = arith.constant 40 : i32
    %scan3A_1 = arith.addi %scan3A, %scan3A_0 : i32
    %scan3A_2 = arith.constant 1 : i32
    scf.for %scan3A_13 = %scan3A to %scan3A_1 step %scan3A_2  : i32 {
      %mul3A_14 = arith.constant 1 : i32
      %mul3A_15 = arith.muli %scan3A_13, %mul3A_14 : i32
      %add3A = arith.constant 0 : i32
      %add3A_16 = arith.addi %add3A, %mul3A_15 : i32
      %mul3A_17 = arith.constant 640 : i32
      %mul3A_18 = arith.muli %arg1, %mul3A_17 : i32
      %mul3A_19 = arith.constant 16 : i32
      %mul3A_20 = arith.muli %add3A_16, %mul3A_19 : i32
      %add3A_21 = arith.addi %mul3A_18, %mul3A_20 : i32
      "tpu.region"() ({
        %run_scoped3A = tpu.sem_alloc : memref<!tpu.dma_semaphore, #tpu.memory_space<semaphore_mem>>
        %dma_start3A = arith.constant 0 : i32
        %dma_start3A_22 = tpu.memref_slice %arg9[%add3A_21, %dma_start3A] : memref<10240x128xf32, #tpu.memory_space<vmem_shared>> -> memref<16x128xf32, #tpu.memory_space<vmem_shared>>
        %dma_start3A_23 = arith.constant 0 : i32
        %dma_start3A_24 = tpu.memref_slice %arg9[%add3A_21, %dma_start3A_23] : memref<10240x128xf32, #tpu.memory_space<vmem_shared>> -> memref<16x128xf32, #tpu.memory_space<vmem_shared>>
        tpu.enqueue_dma source(%arg8 : memref<16x128xf32, #tpu.memory_space<vmem>>) target(%dma_start3A_24 : memref<16x128xf32, #tpu.memory_space<vmem_shared>>) target_semaphore(%run_scoped3A : memref<!tpu.dma_semaphore, #tpu.memory_space<semaphore_mem>>)
        %dma_wait3A = arith.constant 0 : i32
        %dma_wait3A_25 = tpu.memref_slice %arg9[%add3A_21, %dma_wait3A] : memref<10240x128xf32, #tpu.memory_space<vmem_shared>> -> memref<16x128xf32, #tpu.memory_space<vmem_shared>>
        %dma_wait3A_26 = arith.constant 0 : i32
        %dma_wait3A_27 = tpu.memref_slice %arg9[%add3A_21, %dma_wait3A_26] : memref<10240x128xf32, #tpu.memory_space<vmem_shared>> -> memref<16x128xf32, #tpu.memory_space<vmem_shared>>
        tpu.wait_dma2 semaphore(%run_scoped3A : memref<!tpu.dma_semaphore, #tpu.memory_space<semaphore_mem>>) src(%arg8 : memref<16x128xf32, #tpu.memory_space<vmem>>) dst(%dma_wait3A_27 : memref<16x128xf32, #tpu.memory_space<vmem_shared>>)
        tpu.yield
      }) : () -> ()
    }
    %scan3A_3 = arith.constant 40 : i32
    "tpu.region"() ({
      %run_scoped3A = tpu.sem_alloc : memref<!tpu.dma_semaphore, #tpu.memory_space<semaphore_mem>>
      %dma_start3A = arith.constant 0 : i32
      %dma_start3A_13 = arith.constant 0 : i32
      %dma_start3A_14 = tpu.memref_slice %arg2[%arg1, %arg0, %dma_start3A, %dma_start3A_13] : memref<16x2x40x128xi32, #tpu.memory_space<hbm>> -> memref<1x1x40x128xi32, #tpu.memory_space<hbm>>
      %dma_start3A_15 = tpu.memref_squeeze %dma_start3A_14 : memref<1x1x40x128xi32, #tpu.memory_space<hbm>> -> memref<40x128xi32, #tpu.memory_space<hbm>>
      %dma_start3A_16 = arith.constant 0 : i32
      %dma_start3A_17 = arith.constant 0 : i32
      %dma_start3A_18 = tpu.memref_slice %arg2[%arg1, %arg0, %dma_start3A_16, %dma_start3A_17] : memref<16x2x40x128xi32, #tpu.memory_space<hbm>> -> memref<1x1x40x128xi32, #tpu.memory_space<hbm>>
      %dma_start3A_19 = tpu.memref_squeeze %dma_start3A_18 : memref<1x1x40x128xi32, #tpu.memory_space<hbm>> -> memref<40x128xi32, #tpu.memory_space<hbm>>
      tpu.enqueue_dma source(%dma_start3A_19 : memref<40x128xi32, #tpu.memory_space<hbm>>) target(%arg6 : memref<40x128xi32, #tpu.memory_space<vmem>>) target_semaphore(%run_scoped3A : memref<!tpu.dma_semaphore, #tpu.memory_space<semaphore_mem>>)
      %dma_wait3A = arith.constant 0 : i32
      %dma_wait3A_20 = arith.constant 0 : i32
      %dma_wait3A_21 = tpu.memref_slice %arg2[%arg1, %arg0, %dma_wait3A, %dma_wait3A_20] : memref<16x2x40x128xi32, #tpu.memory_space<hbm>> -> memref<1x1x40x128xi32, #tpu.memory_space<hbm>>
      %dma_wait3A_22 = tpu.memref_squeeze %dma_wait3A_21 : memref<1x1x40x128xi32, #tpu.memory_space<hbm>> -> memref<40x128xi32, #tpu.memory_space<hbm>>
      %dma_wait3A_23 = arith.constant 0 : i32
      %dma_wait3A_24 = arith.constant 0 : i32
      %dma_wait3A_25 = tpu.memref_slice %arg2[%arg1, %arg0, %dma_wait3A_23, %dma_wait3A_24] : memref<16x2x40x128xi32, #tpu.memory_space<hbm>> -> memref<1x1x40x128xi32, #tpu.memory_space<hbm>>
      %dma_wait3A_26 = tpu.memref_squeeze %dma_wait3A_25 : memref<1x1x40x128xi32, #tpu.memory_space<hbm>> -> memref<40x128xi32, #tpu.memory_space<hbm>>
      tpu.wait_dma2 semaphore(%run_scoped3A : memref<!tpu.dma_semaphore, #tpu.memory_space<semaphore_mem>>) src(%dma_wait3A_26 : memref<40x128xi32, #tpu.memory_space<hbm>>) dst(%arg6 : memref<40x128xi32, #tpu.memory_space<vmem>>)
      tpu.yield
    }) : () -> ()
    %barrier3A = arith.constant 0 : index
    tpu.barrier barrier_id(%barrier3A)
    %scan3A_4 = arith.constant 0 : i32
    %scan3A_5 = arith.constant 40 : i32
    %scan3A_6 = arith.addi %scan3A_4, %scan3A_5 : i32
    %scan3A_7 = arith.constant 1 : i32
    scf.for %scan3A_13 = %scan3A_4 to %scan3A_6 step %scan3A_7  : i32 {
      %mul3A_14 = arith.constant 1 : i32
      %mul3A_15 = arith.muli %scan3A_13, %mul3A_14 : i32
      %add3A = arith.constant 0 : i32
      %add3A_16 = arith.addi %add3A, %mul3A_15 : i32
      "tpu.region"() ({
        %run_scoped3A = tpu.sem_alloc : memref<!tpu.dma_semaphore, #tpu.memory_space<semaphore_mem>>
        %dma_start3A = arith.constant 0 : i32
        %dma_start3A_17 = tpu.memref_slice %arg6[%add3A_16, %dma_start3A] : memref<40x128xi32, #tpu.memory_space<vmem>> -> memref<1x128xi32, #tpu.memory_space<vmem>>
        %dma_start3A_18 = tpu.memref_squeeze %dma_start3A_17 : memref<1x128xi32, #tpu.memory_space<vmem>> -> memref<128xi32, #tpu.memory_space<vmem>>
        %dma_start3A_19 = arith.constant 0 : i32
        %dma_start3A_20 = arith.constant 0 : i32
        %dma_start3A_21 = tpu.memref_slice %arg9[%dma_start3A_19, %dma_start3A_20] : memref<10240x128xf32, #tpu.memory_space<vmem_shared>> -> memref<10240x128xf32, #tpu.memory_space<vmem_shared>>
        tpu.enqueue_indirect_dma source(%arg7 : memref<128x128xf32, #tpu.memory_space<vmem>>) target(%dma_start3A_21 : memref<10240x128xf32, #tpu.memory_space<vmem_shared>>) offsets(%dma_start3A_18 : memref<128xi32, #tpu.memory_space<vmem>>) semaphore(%run_scoped3A : memref<!tpu.dma_semaphore, #tpu.memory_space<semaphore_mem>>) {add = true}
        %dma_wait3A = arith.constant 0 : i32
        %dma_wait3A_22 = tpu.memref_slice %arg6[%add3A_16, %dma_wait3A] : memref<40x128xi32, #tpu.memory_space<vmem>> -> memref<1x128xi32, #tpu.memory_space<vmem>>
        %dma_wait3A_23 = tpu.memref_squeeze %dma_wait3A_22 : memref<1x128xi32, #tpu.memory_space<vmem>> -> memref<128xi32, #tpu.memory_space<vmem>>
        %dma_wait3A_24 = arith.constant 0 : i32
        %dma_wait3A_25 = arith.constant 0 : i32
        %dma_wait3A_26 = tpu.memref_slice %arg9[%dma_wait3A_24, %dma_wait3A_25] : memref<10240x128xf32, #tpu.memory_space<vmem_shared>> -> memref<10240x128xf32, #tpu.memory_space<vmem_shared>>
        tpu.wait_indirect_dma semaphore(%run_scoped3A : memref<!tpu.dma_semaphore, #tpu.memory_space<semaphore_mem>>) src(%arg7 : memref<128x128xf32, #tpu.memory_space<vmem>>) dst(%dma_wait3A_26 : memref<10240x128xf32, #tpu.memory_space<vmem_shared>>)
        tpu.yield
      }) : () -> ()
    }
    %scan3A_8 = arith.constant 40 : i32
    %barrier3A_9 = arith.constant 0 : index
    tpu.barrier barrier_id(%barrier3A_9)
    %mul3A = arith.constant 640 : i32
    %mul3A_10 = arith.muli %arg1, %mul3A : i32
    %mul3A_11 = arith.constant 640 : i32
    %mul3A_12 = arith.muli %arg1, %mul3A_11 : i32
    "tpu.region"() ({
      %run_scoped3A = tpu.sem_alloc : memref<!tpu.dma_semaphore, #tpu.memory_space<semaphore_mem>>
      %dma_start3A = arith.constant 0 : i32
      %dma_start3A_13 = tpu.memref_slice %arg5[%arg0, %mul3A_12, %dma_start3A] : memref<2x10240x128xf32, #tpu.memory_space<hbm>> -> memref<1x640x128xf32, #tpu.memory_space<hbm>>
      %dma_start3A_14 = tpu.memref_squeeze %dma_start3A_13 : memref<1x640x128xf32, #tpu.memory_space<hbm>> -> memref<640x128xf32, #tpu.memory_space<hbm>>
      %dma_start3A_15 = arith.constant 0 : i32
      %dma_start3A_16 = tpu.memref_slice %arg9[%mul3A_10, %dma_start3A_15] : memref<10240x128xf32, #tpu.memory_space<vmem_shared>> -> memref<640x128xf32, #tpu.memory_space<vmem_shared>>
      tpu.enqueue_dma source(%dma_start3A_16 : memref<640x128xf32, #tpu.memory_space<vmem_shared>>) target(%dma_start3A_14 : memref<640x128xf32, #tpu.memory_space<hbm>>) target_semaphore(%run_scoped3A : memref<!tpu.dma_semaphore, #tpu.memory_space<semaphore_mem>>)
      %dma_wait3A = arith.constant 0 : i32
      %dma_wait3A_17 = tpu.memref_slice %arg5[%arg0, %mul3A_12, %dma_wait3A] : memref<2x10240x128xf32, #tpu.memory_space<hbm>> -> memref<1x640x128xf32, #tpu.memory_space<hbm>>
      %dma_wait3A_18 = tpu.memref_squeeze %dma_wait3A_17 : memref<1x640x128xf32, #tpu.memory_space<hbm>> -> memref<640x128xf32, #tpu.memory_space<hbm>>
      %dma_wait3A_19 = arith.constant 0 : i32
      %dma_wait3A_20 = tpu.memref_slice %arg9[%mul3A_10, %dma_wait3A_19] : memref<10240x128xf32, #tpu.memory_space<vmem_shared>> -> memref<640x128xf32, #tpu.memory_space<vmem_shared>>
      tpu.wait_dma2 semaphore(%run_scoped3A : memref<!tpu.dma_semaphore, #tpu.memory_space<semaphore_mem>>) src(%dma_wait3A_20 : memref<640x128xf32, #tpu.memory_space<vmem_shared>>) dst(%dma_wait3A_18 : memref<640x128xf32, #tpu.memory_space<hbm>>)
      tpu.yield
    }) : () -> ()
    return
  }
}

</mosaic_0001>

<sc_bundles>
// kernel: _sc_degree.3.cloned.1.call-start
scs
__scs_entry_jumppad:
0x0: {  	(pc) =	sbr.rel $0x88, $3  }
0x1: {  	(tag) =	ssettag $0x0;
	lr =	simm.s32 $0x1  }
0x2: {  	[smem:$0x3FA0] =	sst lr;
	_ =	strace $0xD0000000  }
0x3: {  	_ = 	snop  }
0x4: {  	_ = 	snop  }
0x5: {  	_ = 	snop  }
0x6: {  	_ = 	snop  }
0x7: {  	_ = 	snop  }
__scs_overlays_trampoline_lowered:
0x8: {  	[smem:$0x3FAF] =	sst s0  }
0x9: {  	[smem:$0x3FB0] =	sst s1  }
0xa: {  	[smem:$0x3FB1] =	sst s2  }
0xb: {  	[smem:$0x3FB2] =	sst s3  }
0xc: {  	[smem:$0x3FB3] =	sst s4  }
0xd: {  	[smem:$0x3FB4] =	sst s5  }
0xe: {  	[smem:$0x3FB5] =	sst s6  }
0xf: {  	[smem:$0x3FB6] =	sst s7  }
0x10: {  	[smem:$0x3FB7] =	sst s8  }
0x11: {  	[smem:$0x3FB8] =	sst s9;
	s0 =	simm.s32 @!p0 $0x0  }
0x12: {  	s1 =	sld [smem:$0x3F9E];
	s0 =	simm.s32 @p0 $0x1  }
0x13: {  	[smem:$0x3FB9] =	sst s0;
	s0 =	simm.s32 @!p1 $0x0  }
0x14: {  	s2 =	sld [smem:$0x3F9D];
	s0 =	simm.s32 @p1 $0x1  }
0x15: {  	[smem:$0x3FBA] =	sst s0;
	s0 =	simm.s32 @!p2 $0x0  }
0x16: {  	s3 =	sld [smem:$0x3FDB];
	s0 =	simm.s32 @p2 $0x1  }
0x17: {  	s4 =	simm.s32 $0x1BF5;
	[smem:$0x3FBC] =	sst s0  }
0x18: {  	s0 =	sld [smem:$0x3F9F];
	_ =	swait.ge [sflag:s4], $0x0  }
0x19: {  	s7 =	sld [smem:$0x3FA0]  }
0x1a: {  	s8 =	sadd.s32 $0xFFFFE003, lr  }
0x1b: {  	s9 =	sadd.s32 $0xFFFFFEF7, lr;
	s5 =	simm.s32 $0xFFFFFFFF;
	p2 =	slt.u32 s8, $0xFFFFF086  }
0x1c: {  	p1 =	slt.u32 s9, $0xF7A;
	s5 =	simm.s32 @!p2 $0x0  }
0x1d: {  	s5 =	simm.s32 @p1 $0x1;
	p0 =	seq.s32 s7, s2  }
0x1e: {  	s7 =	smul.u32 @!p0 $0xF7A, s2;
	p2 =	seq.s32 @!p0 s5, $0x0  }
0x1f: {  	s9 =	smul.u32 $0xF7A, s1;
	s8 =	simm.s32 @!p0 $0x1BF5;
	p2 =	por !p2, p0  }
0x20: {  	[sflag:s8] =	ssyncset.s32 @!p0 $0xFFFFF086;
	s6 =	sadd.s32 @!p0 s3, s7;
	s7 =	simm.s32 @!p0 $0x108  }
0x21: {  	s3 =	sadd.s32 s3, s9;
	s6 =	sadd.s32 @!p0 $0x88, s6;
	s7 =	simm.s32 @p2 $0x1082  }
0x22: {  	[simem:s7], [sflag:s8] =	dma.local @!p0 [hbm:s6], $0xF7A  }
0x23: {  	s9 =	sor.u32 $0xD0000000, s2;
	s6 =	simm.s32 $0x108;
	_ =	swait.ge @!p0 [sflag:s8], $0x0  }
0x24: {  	s3 =	sadd.s32 $0x88, s3;
	s6 =	simm.s32 @!p1 $0x1082;
	[sflag:s4] =	ssyncset.s32 $0xFFFFF086  }
0x25: {  	[simem:s6], [sflag:s4] =	dma.local [hbm:s3], $0xF7A  }
0x26: {  	[smem:$0x3FA0] =	sst s1;
	(tag) =	ssettag s2;
	_ =	strace s9  }
0x27: {  	s1 =	sld [smem:$0x3FB0]  }
0x28: {  	s2 =	sld [smem:$0x3FB1]  }
0x29: {  	s4 =	sld [smem:$0x3FB3]  }
0x2a: {  	p0 =	seq.s32 s5, $0x0;
	s5 =	sld [smem:$0x3FB4]  }
0x2b: {  	s6 =	sld [smem:$0x3FB5]  }
0x2c: {  	s7 =	sld [smem:$0x3FB6]  }
0x2d: {  	s3 =	simm.s32 $0x108;
	s8 =	sld [smem:$0x3FB7]  }
0x2e: {  	s3 =	simm.s32 @!p0 $0x1082;
	s9 =	sld [smem:$0x3FB8]  }
0x2f: {  	lr =	sadd.s32 s0, s3;
	s0 =	sld [smem:$0x3FAF]  }
0x30: {  	s3 =	sld [smem:$0x3FB2]  }
0x31: {  	[smem:$0x3FBB] =	sst s10  }
0x32: {  	s10 =	sld [smem:$0x3FB9];
	_ =	sdelay $0x3  }
0x33: {  	p0 =	seq.s32 s10, $0x1;
	s10 =	sld [smem:$0x3FBB];
	_ =	sdelay $0x3  }
0x34: {  	[smem:$0x3FBB] =	sst s10  }
0x35: {  	s10 =	sld [smem:$0x3FBA];
	_ =	sdelay $0x3  }
0x36: {  	p1 =	seq.s32 s10, $0x1;
	s10 =	sld [smem:$0x3FBB];
	_ =	sdelay $0x3  }
0x37: {  	[smem:$0x3FBB] =	sst s10  }
0x38: {  	s10 =	sld [smem:$0x3FBC]  }
0x39: {  	_ = 	snop;
	(pc) =	sbr.ind lr, $3  }
0x3a: {  	_ = 	snop  }
0x3b: {  	_ = 	snop  }
0x3c: {  	p2 =	seq.s32 s10, $0x1;
	s10 =	sld [smem:$0x3FBB]  }
0x3d: {  	_ =	shalt  }
0x3e: {  	_ =	shalt  }
0x3f: {  	_ =	shalt  }
0x40: {  	_ =	shalt  }
0x41: {  	_ =	shalt  }
0x42: {  	_ =	shalt  }
0x43: {  	_ =	shalt  }
0x44: {  	_ =	shalt  }
0x45: {  	_ =	shalt  }
0x46: {  	_ =	shalt  }
0x47: {  	_ =	shalt  }
0x48: {  	_ =	shalt  }
0x49: {  	_ =	shalt  }
0x4a: {  	_ =	shalt  }
0x4b: {  	_ =	shalt  }
0x4c: {  	_ =	shalt  }
0x4d: {  	_ =	shalt  }
0x4e: {  	_ =	shalt  }
0x4f: {  	_ =	shalt  }
0x50: {  	_ =	shalt  }
0x51: {  	_ =	shalt  }
0x52: {  	_ =	shalt  }
0x53: {  	_ =	shalt  }
0x54: {  	_ =	shalt  }
0x55: {  	_ =	shalt  }
0x56: {  	_ =	shalt  }
0x57: {  	_ =	shalt  }
0x58: {  	_ =	shalt  }
0x59: {  	_ =	shalt  }
0x5a: {  	_ =	shalt  }
0x5b: {  	_ =	shalt  }
0x5c: {  	_ =	shalt  }
0x5d: {  	_ =	shalt  }
0x5e: {  	_ =	shalt  }
0x5f: {  	_ =	shalt  }
0x60: {  	_ =	shalt  }
0x61: {  	_ =	shalt  }
0x62: {  	_ =	shalt  }
0x63: {  	_ =	shalt  }
0x64: {  	_ =	shalt  }
0x65: {  	_ =	shalt  }
0x66: {  	_ =	shalt  }
0x67: {  	_ =	shalt  }
0x68: {  	_ =	shalt  }
0x69: {  	_ =	shalt  }
0x6a: {  	_ =	shalt  }
0x6b: {  	_ =	shalt  }
0x6c: {  	_ =	shalt  }
0x6d: {  	_ =	shalt  }
0x6e: {  	_ =	shalt  }
0x6f: {  	_ =	shalt  }
0x70: {  	_ =	shalt  }
0x71: {  	_ =	shalt  }
0x72: {  	_ =	shalt  }
0x73: {  	_ =	shalt  }
0x74: {  	_ =	shalt  }
0x75: {  	_ =	shalt  }
0x76: {  	_ =	shalt  }
0x77: {  	_ =	shalt  }
0x78: {  	_ =	shalt  }
0x79: {  	_ =	shalt  }
0x7a: {  	_ =	shalt  }
0x7b: {  	_ =	shalt  }
0x7c: {  	_ =	shalt  }
0x7d: {  	_ =	shalt  }
0x7e: {  	_ =	shalt  }
0x7f: {  	_ =	shalt  }
0x80: {  	_ =	shalt  }
0x81: {  	_ =	shalt  }
0x82: {  	_ =	shalt  }
0x83: {  	_ =	shalt  }
0x84: {  	_ =	shalt  }
0x85: {  	_ =	shalt  }
0x86: {  	_ =	shalt  }
0x87: {  	_ =	shalt  }
.Lfunc_end0:
.L_simem_size_0:
called_computation_lowered:
.L_overlay_start_0:
0x88: {  	s2 =	sld [smem:$0x3FD9]  }
0x89: {  	s3 =	sld [smem:$0x3FFE];
	_ =	sdelay $0x1  }
0x8a: {  	s1 =	srdreg.scid  }
0x8b: {  	s0 =	sand.u32 $0x1, s1  }
0x8c: {  	s17 =	sshll.u32 s0, $0xA;
	s2 =	sadd.s32 s3, s2  }
0x8d: {  	s2 =	sadd.s32 s2, s17  }
0x8e: {  	[smem:$0x3FC7] =	sst s2  }
0x8f: {  	_ = 	snop  }
0x90: {  	s2 =	sld [smem:$0x3FC9]  }
0x91: {  	s18 =	sld [smem:$0x3FD0];
	(tm) =	ssettm $0x1  }
0x92: {  	s4 =	sld [smem:$0x3FFB];
	_ =	sdelay $0x3  }
0x93: {  	_ =	strace s4  }
0x94: {  	s4 =	sld [smem:$0x3FFC];
	_ =	sdelay $0x3  }
0x95: {  	_ =	strace s4  }
0x96: {  	s4 =	sld [smem:$0x3FFD];
	_ =	sdelay $0x3  }
0x97: {  	_ =	strace s4  }
0x98: {  	_ =	strace $0x8FFFFFFF  }
0x99: {  	s19 =	sld [smem:$0x3FDB];
	_ =	sdelay $0x1  }
0x9a: {  	s5 =	simm.s32 $_scs_section_size  }
0x9b: {  	s6 =	simm.s32 $_size__tile_overlayer_lowered;
	s7 =	simm.s32 $_tile_overlayer_lowered  }
0x9c: {  	s22 =	simm.s32 $0x1BFF;
	s21 =	sshll.u32 s7, $0x1;
	s4 =	sadd.s32 s5, s19  }
0x9d: {  	s8 =	simm.s32 $0x0;
	s20 =	sshll.u32 s6, $0x1;
	s6 =	sadd.s32 s21, s4  }
0x9e: {  	[timem:s8], [sflag:s22] =	dma.local [hbm:s6], s20  }
0x9f: {  	_ =	swait.ge [sflag:s22], s20  }
0xa0: {  	s5 =	ssub.s32 $0x0, s20;
	[sflag:s22] =	ssyncset.done $0x0  }
0xa1: {  	[sflag:s22] =	ssyncadd.s32 s5;
	_ =	sdelay $0x1  }
0xa2: {  	s23 =	simm.s32 $0x1B8B  }
0xa3: {  	_ =	swait.ge [sflag:s23], $0x1  }
0xa4: {  	[sflag:s23] =	ssyncset.done $0x0  }
0xa5: {  	s25 =	simm.s32 $0x1B8E;
	s24 =	sld [smem:$0x3FFE];
	[sflag:s23] =	ssyncadd.s32 $0xFFFFFFFF  }
0xa6: {  	s26 =	simm.s32 $execute0_lowered;
	[smem:$0x3FD2] =	sst s25  }
0xa7: {  	s6 =	sshll.u32 s26, $0x1;
	_ =	strace $0x80000046;
	[dreg:$0x1] =	wrdreg $0xFFFFFFFF  }
0xa8: {  	s28 =	simm.s32 $_size_execute0_lowered;
	s4 =	sadd.s32 s4, s6;
	[dreg:$0x0] =	wrdreg $0x0  }
0xa9: {  	s6 =	sshll.u32 s28, $0x1;
	[dreg:$0x2] =	wrdreg s4  }
0xaa: {  	[dreg:$0x3] =	wrdreg s6  }
0xab: {  	[dreg:$0x4] =	wrdreg $0xC0  }
0xac: {  	_ =	task [dreg:s8], $0x5FFFF  }
0xad: {  	[dreg:$0x1] =	wrdreg $0xFFFFFFFF  }
0xae: {  	[dreg:$0x0] =	wrdreg $0x60  }
0xaf: {  	[dreg:$0x2] =	wrdreg s2  }
0xb0: {  	[dreg:$0x3] =	wrdreg s24  }
0xb1: {  	[dreg:$0x4] =	wrdreg s18  }
0xb2: {  	[dreg:$0x5] =	wrdreg $0x5C000  }
0xb3: {  	[dreg:$0x6] =	wrdreg $0x9  }
0xb4: {  	_ =	task.clear_ibuf [dreg:s8], $0x7FFFF;
	_ =	strace $0x90000046  }
0xb5: {  	s29 =	simm.s32 $0x9;
	_ =	strace $0x80000048  }
0xb6: {  	_ =	swait.ge [sflag:s29], $0x1  }
0xb7: {  	[sflag:s29] =	ssyncadd.s32 $0xFFFFFFFF  }
0xb8: {  	_ =	strace $0x90000048  }
0xb9: {  	_ =	sfence  }
0xba: {  	s30 =	sld [smem:$0x0];
	_ =	sdelay $0x2  }
0xbb: {  	s31 =	sshll.u32 s1, $0xD;
	s1 =	sshrl.u32 s1, $0x2  }
0xbc: {  	s3 =	sand.u32 $0x4000, s31;
	s1 =	sadd.s32 s1, s30  }
0xbd: {  	s0 =	sor.u32 s3, s0;
	s1 =	sshll.u32 s1, $0x11  }
0xbe: {  	s0 =	sor.u32 s1, s0  }
0xbf: {  	s0 =	sadd.s32 $0x8F2B, s0  }
0xc0: {  	[sflag:s0] =	ssyncadd.remote.s32 $0x1  }
0xc1: {  	_ =	sfence.sel $0xFFFF  }
0xc2: {  	[dreg:$0x0] =	wrdreg $0xFFFFFFFF;
	(pc) =	sbr.abs _section_cstart, $3  }
0xc3: {  	[dreg:$0x1] =	wrdreg $0xFFFFFFFF  }
0xc4: {  	_ =	task.clear_ibuf [dreg:s8], $0x2FFFF;
	_ =	strace $0x9FFFFFFF  }
0xc5: {  	(tm) =	ssettm $0x7FFFFFFF  }
tec
execute0_lowered:
.L_overlay_start_1:
0x0: {  	(tag) =	ssettag $0x1  }
0x1: {  	s7 =	rddreg [dreg:$0x0]  }
0x2: {  	s5 =	rddreg [dreg:$0x1]  }
0x3: {  	s8 =	rddreg [dreg:$0x2]  }
0x4: {  	s2 =	rddreg [dreg:$0x3]  }
0x5: {  	s0 =	rddreg [dreg:$0x4];
	s1 =	stileid.u32  }
0x6: {  	s4 =	srdreg.scid;
	s9 =	smul.u32 $0x2800, s1  }
0x7: {  	s3 =	simm.s32 $0x0;
	s16 =	simm.s32 $0x0;
	s12 =	smul.u32 $0x14000, s1  }
0x8: {  	s6 =	sand.u32 $0x1, s4;
	[smem:$0x7FF] =	sst s3;
	s14 =	smul.u32 $0x50000, s1  }
0x9: {  	s4 =	sadd.s32 $0x600, s5;
	s5 =	sadd.s32 $0x400, s5;
	s10 =	smul.u32 $0x1400, s6  }
0xa: {  	s31 =	sshll.u32 s1, $0x6;
	s11 =	smul.u32 $0x140000, s6;
	s6 =	ssub.s32 $0x2, s6  }
0xb: {  	_ =	strace $0x80000047;
	s13 =	sshrl.u32 s6, $0x1;
	s29 =	sshrl.u32 s14, $0x2  }
0xc: {  	s14 =	sor.u32 $0x1C01, s31;
	s13 =	ssub.s32 s6, s13;
	s26 =	sadd.s32 s10, s9  }
0xd: {  	s28 =	sadd.s32 s12, s11;
	s6 =	sadd.s32 s29, s2;
	s10 =	simm.s32 $0x5400  }
0xe: {  	s11 =	simm.s32 $0x1;
	s12 =	simm.s32 $0x1400;
	s30 =	sshrl.u32 s26, $0x3  }
0xf: {  	s9 =	sshrl.u32 s28, $0x3;
	s15 =	sshrl.u32 s6, $0x3;
	s7 =	sadd.s32 s7, s30  }
0x10: {  	s8 =	sadd.s32 s8, s9;
	s9 =	smax.u32 s13, $0x1;
	s13 =	simm.s32 $0x80  }
.LBB2_1:
0x11: {  	[tilespmem:s10], [sflag:$0x1] =	stream.linear.gather [hbm4b:s5+s3], $0x800, $0x38;
	[tilespmem:$0x19C00] =	vst v63  }
0x12: {  	_ =	swait.ge [sflag:s11], $0x800  }
0x13: {  	[sflag:s11] =	ssyncset.done $0x0  }
0x14: {  	[sflag:s11] =	ssyncadd.s32 $0xFFFFF800  }
0x15: {  	[tilespmem:s12], [sflag:$0x1] =	stream.linear.gather [hbm4b:s4+s3], $0x4000, $0x38;
	[tilespmem:$0x19C00] =	vst v63  }
0x16: {  	_ =	swait.ge [sflag:s11], $0x4000  }
0x17: {  	[sflag:s11] =	ssyncset.done $0x0  }
0x18: {  	s17 =	sadd.s32 $0x0, s6;
	[sflag:s11] =	ssyncadd.s32 $0xFFFFC000  }
0x19: {  	[spmem:s17] =	stream.linear.scatter [tilespmem:s10], [sflag:$0x1], $0x800, $0x38;
	[tilespmem:$0x19C00] =	vst v63  }
0x1a: {  	s17 =	simm.s32 $0x2000;
	_ =	swait.ge [sflag:s11], $0x800  }
.LBB2_2:
0x1b: {  	s18 =	sshra.s32 s17, $0x2;
	[sflag:s11] =	ssyncset.done $0x0;
	p0 =	sne.s32 s17, $0x4E000  }
.Ltmp0:
0x1c: {  	s18 =	sadd.s32 s18, s6;
	[sflag:s11] =	ssyncadd.s32 $0xFFFFF800;
	(pc) =	sbr.rel @p0 .LBB2_2-.Ltmp0, $3  }
0x1d: {  	[spmem:s18] =	stream.linear.scatter [tilespmem:s10], [sflag:$0x1], $0x800, $0x38;
	[tilespmem:$0x19C00] =	vst v63  }
0x1e: {  	s17 =	sadd.s32 $0x2000, s17;
	_ =	sdelay $0x1  }
0x1f: {  	_ =	swait.ge [sflag:s11], $0x800  }
0x20: {  	[sflag:s11] =	ssyncset.done $0x0  }
0x21: {  	s17 =	simm.s32 $0x0;
	[sflag:s11] =	ssyncadd.s32 $0xFFFFF800  }
0x22: {  	[tilespmem:s17], [sflag:$0x1] =	stream.linear.gather [hbm4b:s7+s17], $0x1400, $0x38;
	[tilespmem:$0x19C00] =	vst v63  }
0x23: {  	_ =	swait.ge [sflag:s11], $0x1400  }
0x24: {  	[sflag:s11] =	ssyncset.done $0x0  }
0x25: {  	[sflag:s11] =	ssyncadd.s32 $0xFFFFEC00  }
0x26: {  	s31 =	simm.s32 $0x0;
	[bflag:$0x0] =	sbarrier.arrive $0xFFFF  }
0x27: {  	[spmem:s2] =	stream.indirect.scatter.add.f32 [tilespmem:s12], [sflag:$0x1], $0x80, s31, s13, $0xb8;
	[tilespmem:$0x19C00] =	vst v63  }
0x28: {  	_ =	swait.ge [sflag:s11], $0x4000  }
0x29: {  	s17 =	simm.s32 $0x200;
	[sflag:s11] =	ssyncset.done $0x0  }
.LBB2_4:
0x2a: {  	s18 =	sshra.s32 s17, $0x2;
	[sflag:s11] =	ssyncadd.s32 $0xFFFFC000;
	p0 =	sne.s32 s17, $0x4E00  }
0x2b: {  	[spmem:s2] =	stream.indirect.scatter.add.f32 [tilespmem:s12], [sflag:$0x1], $0x80, s18, s13, $0xb8;
	[tilespmem:$0x19C00] =	vst v63  }
.Ltmp1:
0x2c: {  	_ = 	snop;
	(pc) =	sbr.rel @p0 .LBB2_4-.Ltmp1, $4  }
0x2d: {  	_ = 	snop  }
0x2e: {  	s17 =	sadd.s32 $0x200, s17  }
0x2f: {  	_ =	swait.ge [sflag:s11], $0x4000  }
0x30: {  	[sflag:s11] =	ssyncset.done $0x0  }
0x31: {  	s16 =	sadd.s32 $0x1, s16  }
0x32: {  	[sflag:s11] =	ssyncadd.s32 $0xFFFFC000;
	p0 =	sne.s32 s16, s9  }
.Ltmp2:
0x33: {  	[bflag:$0x0] =	sbarrier.arrive $0xFFFF;
	(pc) =	sbr.rel @p0 .LBB2_1-.Ltmp2, $4  }
0x34: {  	[hbm:s8], [sflag:s14] =	dma.local [spmem:s15], $0x2800  }
0x35: {  	_ =	swait.ge [sflag:s11], $0x2800  }
0x36: {  	[sflag:s11] =	ssyncset.done $0x0  }
0x37: {  	[sflag:s11] =	ssyncadd.s32 $0xFFFFD800  }
0x38: {  	_ =	sfence.sel $0x180000  }
0x39: {  	[bflag:$0x0] =	sbarrier.arrive $0xFFFF  }
0x3a: {  	p0 =	sne.s32 s1, $0x0;
	_ =	strace $0x90000047  }
0x3b: {  	s0 =	sadd.s32 @!p0 $0x100000, s0;
	[bflag:$0x2] =	sbarrier.arrive $0xFFFF  }
0x3c: {  	[sflag:s0] =	ssyncadd.tile.s32 @!p0 $0x1;
	_ =	shalt  }
.Lfunc_end2:
_tile_overlayer_lowered:
.L_overlay_start_2:
0x3d: {  	(tag) =	ssettag $0x2  }
0x3e: {  	s0 =	rddreg [dreg:$0x0];
	s2 =	stileid.u32  }
0x3f: {  	s1 =	rddreg [dreg:$0x1];
	p0 =	sne.s32 s2, $0x0  }
0x40: {  	s3 =	rddreg [dreg:$0x2];
	[bflag:$0x3] =	sbarrier.arrive $0xFFFF;
	s2 =	simm.s32 @!p0 $0x1C01  }
0x41: {  	[timem:s3], [sflag:s2] =	dma.local @!p0 [hbm:s0], s1  }
0x42: {  	s0 =	simm.s32 @!p0 $0x1  }
0x43: {  	_ =	swait.ge @!p0 [sflag:s0], s1  }
0x44: {  	s1 =	ssub.s32 @!p0 $0x0, s1;
	[sflag:s0] =	ssyncset.done @!p0 $0x0  }
0x45: {  	[sflag:s0] =	ssyncadd.s32 @!p0 s1  }
0x46: {  	[bflag:$0x3] =	sbarrier.arrive $0xFFFF  }
0x47: {  	_ =	shalt  }

</sc_bundles>
